<compile_context>
chip_gen: v7x
topology: tpu7x:2x2x1
jax: 0.10.2.dev20260603
libtpu: 0.0.44.dev20260713+nightly
codegen_flags: <defaults>
</compile_context>

<pallas_src>
import functools

import jax
import jax.numpy as jnp
from jax import lax
from jax.experimental import pallas as pl
from jax.experimental.pallas import tpu as pltpu
from jax.experimental.pallas import tpu_sc as plsc

DIM = 256
BN = 1024
BK = 512
BT = 512
BC = 1024
GC = 128


def _dist_argmin_body(xt_ref, e_ref, xsq_ref, esq_ref, idx_ref,
                      best_ref, bidx_ref):
    k = pl.program_id(1)
    nk = pl.num_programs(1)

    @pl.when(k == 0)
    def _init():
        best_ref[...] = jnp.full(best_ref.shape, -jnp.inf, best_ref.dtype)
        bidx_ref[...] = jnp.zeros(bidx_ref.shape, bidx_ref.dtype)

    eb = e_ref[...]
    xtb = xt_ref[...]
    mt = lax.dot_general(eb, xtb, (((0,), (0,)), ((), ())),
                         preferred_element_type=jnp.float32,
                         precision=lax.Precision.HIGHEST)
    d = (xsq_ref[...] - 2.0 * mt) + esq_ref[...]
    nd = -d

    tmax = jnp.max(nd, axis=0, keepdims=True)
    sub = lax.broadcasted_iota(jnp.int32, nd.shape, 0)
    targ = jnp.min(jnp.where(nd == tmax, sub, BK), axis=0, keepdims=True)
    better = tmax > best_ref[...]
    bidx_ref[...] = jnp.where(better, k * BK + targ, bidx_ref[...])
    best_ref[...] = jnp.where(better, tmax, best_ref[...])

    @pl.when(k == nk - 1)
    def _fin():
        idx_ref[...] = bidx_ref[...][None]


def _argmin_indices(xt, emb, xsq, esq):
    n, k = xt.shape[1], emb.shape[1]
    out = pl.pallas_call(
        _dist_argmin_body,
        grid=(n // BN, k // BK),
        in_specs=[
            pl.BlockSpec((DIM, BN), lambda i, j: (0, i)),
            pl.BlockSpec((DIM, BK), lambda i, j: (0, j)),
            pl.BlockSpec((1, BN), lambda i, j: (0, i)),
            pl.BlockSpec((BK, 1), lambda i, j: (j, 0)),
        ],
        out_specs=pl.BlockSpec((1, 1, BN), lambda i, j: (i, 0, 0)),
        out_shape=jax.ShapeDtypeStruct((n // BN, 1, BN), jnp.int32),
        scratch_shapes=[
            pltpu.VMEM((1, BN), jnp.float32),
            pltpu.VMEM((1, BN), jnp.int32),
        ],
        compiler_params=pltpu.CompilerParams(
            dimension_semantics=("parallel", "arbitrary"),
        ),
    )(xt, emb, xsq, esq)
    return out.reshape(n)


def _transpose_body(e_ref, et_ref):
    et_ref[...] = e_ref[...].T


def _transpose(emb):
    k = emb.shape[1]
    return pl.pallas_call(
        _transpose_body,
        grid=(k // BT,),
        in_specs=[pl.BlockSpec((DIM, BT), lambda j: (0, j))],
        out_specs=pl.BlockSpec((BT, DIM), lambda j: (j, 0)),
        out_shape=jax.ShapeDtypeStruct((k, DIM), jnp.float32),
    )(emb)


def _gather_rows(emb_t, idx):
    info = plsc.get_sparse_core_info()
    nw = info.num_cores * info.num_subcores
    b = idx.shape[0]
    b_per_w = b // nw
    n_chunks = b_per_w // GC
    mesh = plsc.VectorSubcoreMesh(core_axis_name="c", subcore_axis_name="s")

    @functools.partial(
        pl.kernel,
        out_type=jax.ShapeDtypeStruct((b, DIM), jnp.float32),
        mesh=mesh,
        scratch_types=[
            pltpu.VMEM((GC,), jnp.int32),
            pltpu.VMEM((GC, DIM), jnp.float32),
            pltpu.SemaphoreType.DMA,
        ],
    )
    def gk(table_hbm, idx_hbm, out_hbm, idx_v, rows_v, sem):
        wid = lax.axis_index("s") * info.num_cores + lax.axis_index("c")
        base = wid * b_per_w

        def chunk(c, carry):
            off = base + c * GC
            pltpu.sync_copy(idx_hbm.at[pl.ds(off, GC)], idx_v)
            pltpu.async_copy(table_hbm.at[idx_v], rows_v, sem).wait()
            pltpu.sync_copy(rows_v, out_hbm.at[pl.ds(off, GC)])
            return carry

        lax.fori_loop(0, n_chunks, chunk, 0)

    return gk(emb_t, idx)


def _finalize_body(x_ref, q_ref, qst_ref, loss_ref, acc_ref):
    i = pl.program_id(0)
    ni = pl.num_programs(0)

    @pl.when(i == 0)
    def _init():
        acc_ref[0] = 0.0

    xb = x_ref[...]
    qb = q_ref[...]
    qst_ref[...] = xb + (qb - xb)
    diff = xb - qb
    acc_ref[0] += jnp.sum(diff * diff)

    @pl.when(i == ni - 1)
    def _fin():
        denom = float(x_ref.shape[0] * ni * x_ref.shape[1])
        loss_ref[...] = (acc_ref[0] / denom)[None, None]


def _finalize(x2d, q):
    n = x2d.shape[0]
    return pl.pallas_call(
        _finalize_body,
        grid=(n // BC,),
        in_specs=[
            pl.BlockSpec((BC, DIM), lambda i: (i, 0)),
            pl.BlockSpec((BC, DIM), lambda i: (i, 0)),
        ],
        out_specs=[
            pl.BlockSpec((BC, DIM), lambda i: (i, 0)),
            pl.BlockSpec((1, 1), lambda i: (0, 0)),
        ],
        out_shape=[
            jax.ShapeDtypeStruct((n, DIM), jnp.float32),
            jax.ShapeDtypeStruct((1, 1), jnp.float32),
        ],
        scratch_shapes=[pltpu.SMEM((1,), jnp.float32)],
    )(x2d, q)


def kernel(x, embedding):
    bsz, seq, dim = x.shape
    x2d = x.reshape(-1, dim)
    xt = x2d.T
    xsq = jnp.sum(x2d ** 2, axis=1)[None, :]
    esq = jnp.sum(embedding ** 2, axis=0)[:, None]
    idx = _argmin_indices(xt, embedding, xsq, esq)
    emb_t = _transpose(embedding)
    q = _gather_rows(emb_t, idx)
    qst2d, loss2d = _finalize(x2d, q)
    quantize_st = qst2d.reshape(x.shape)
    loss = loss2d.reshape(())
    indices = idx.reshape(bsz, seq)
    return (quantize_st, loss, indices, loss)

# --- scband reference (transcript-rebuilt; emitter-appended) ---
"""Pipeline reference for scband-vector-quantization-33397665694417 (READ-ONLY COPY).

The authoritative reference and input builder live on the scoring server;
editing this copy changes nothing except your own understanding.
"""

import jax, jax.numpy as jnp
import numpy as np

DIM = 256
D_MODEL = 8192


def setup_inputs(seed: int = 0) -> dict:
    key = jax.random.key(seed)
    k1, k2 = jax.random.split(key)
    x = jax.random.normal(k1, (16, 1024, DIM), dtype=jnp.float32)
    # learned codebook buffer: embedding[dim, d_model]
    embedding = jax.random.normal(k2, (DIM, D_MODEL), dtype=jnp.float32)
    return {"x": x, "embedding": embedding}


def reference(x, embedding):
    dim = embedding.shape[0]
    flatten = x.reshape(-1, dim)
    # squared L2 distance to every code: [N, d_model]
    distance = (jnp.sum(flatten ** 2, axis=1, keepdims=True)
                - 2.0 * (flatten @ embedding)
                + jnp.sum(embedding ** 2, axis=0, keepdims=True))
    max_index = jnp.argmax(-distance, axis=1)
    indices = max_index.reshape(x.shape[:-1])
    # code_book: F.embedding(id, embedding.T) -> take rows of embedding.T
    quantize = jnp.take(embedding.T, indices, axis=0)
    quant_loss = jnp.mean((jax.lax.stop_gradient(x) - quantize) ** 2)
    commitment_loss = jnp.mean((jax.lax.stop_gradient(quantize) - x) ** 2)
    quantize_st = x + jax.lax.stop_gradient(quantize - x)
    return (quantize_st, quant_loss, indices, commitment_loss)

if __name__ == "__main__":
    import jax
    _d = setup_inputs()
    print(jax.jit(kernel)(*tuple(_d.values())))

</pallas_src>

<mosaic_0001>
#map = affine_map<(d0, d1) -> (0, 0)>
#map1 = affine_map<(d0, d1) -> (0)>
module attributes {stable_mosaic.version = 14 : i64} {
  func.func @gk(%arg0: i32, %arg1: i32, %arg2: memref<8192x256xf32, #tpu.memory_space<hbm>>, %arg3: memref<16384xi32, #tpu.memory_space<hbm>>, %arg4: memref<16384x256xf32, #tpu.memory_space<hbm>>, %arg5: memref<128xi32, #tpu.memory_space<vmem>>, %arg6: memref<128x256xf32, #tpu.memory_space<vmem>>, %arg7: memref<!tpu.dma_semaphore, #tpu.memory_space<semaphore_mem>>) attributes {dimension_semantics = [#tpu.dimension_semantics<core_parallel>, #tpu.dimension_semantics<subcore_parallel>], iteration_bounds = array<i64: 2, 16>, scalar_prefetch = 0 : i64, scratch_operands = 3 : i64, tpu.core_type = #tpu.core_type<sc_vector_subcore>, window_params = [{transform_indices = #map}, {transform_indices = #map1}, {transform_indices = #map}]} {
    %mul3A = arith.constant 2 : i32
    %mul3A_0 = arith.muli %arg1, %mul3A : i32
    %add3A = arith.addi %mul3A_0, %arg0 : i32
    %mul3A_1 = arith.constant 512 : i32
    %mul3A_2 = arith.muli %add3A, %mul3A_1 : i32
    %scan3A = arith.constant 0 : i32
    %scan3A_3 = arith.constant 0 : i32
    %scan3A_4 = arith.constant 4 : i32
    %scan3A_5 = arith.addi %scan3A_3, %scan3A_4 : i32
    %scan3A_6 = arith.constant 1 : i32
    scf.for %scan3A_8 = %scan3A_3 to %scan3A_5 step %scan3A_6  : i32 {
      %mul3A_9 = arith.constant 128 : i32
      %mul3A_10 = arith.muli %scan3A_8, %mul3A_9 : i32
      %add3A_11 = arith.addi %mul3A_2, %mul3A_10 : i32
      "tpu.region"() ({
        %run_scoped3A = tpu.sem_alloc : memref<!tpu.dma_semaphore, #tpu.memory_space<semaphore_mem>>
        %dma_start3A_16 = tpu.memref_slice %arg3[%add3A_11] : memref<16384xi32, #tpu.memory_space<hbm>> -> memref<128xi32, #tpu.memory_space<hbm>>
        %dma_start3A_17 = tpu.memref_slice %arg3[%add3A_11] : memref<16384xi32, #tpu.memory_space<hbm>> -> memref<128xi32, #tpu.memory_space<hbm>>
        tpu.enqueue_dma source(%dma_start3A_17 : memref<128xi32, #tpu.memory_space<hbm>>) target(%arg5 : memref<128xi32, #tpu.memory_space<vmem>>) target_semaphore(%run_scoped3A : memref<!tpu.dma_semaphore, #tpu.memory_space<semaphore_mem>>)
        %dma_wait3A_18 = tpu.memref_slice %arg3[%add3A_11] : memref<16384xi32, #tpu.memory_space<hbm>> -> memref<128xi32, #tpu.memory_space<hbm>>
        %dma_wait3A_19 = tpu.memref_slice %arg3[%add3A_11] : memref<16384xi32, #tpu.memory_space<hbm>> -> memref<128xi32, #tpu.memory_space<hbm>>
        tpu.wait_dma2 semaphore(%run_scoped3A : memref<!tpu.dma_semaphore, #tpu.memory_space<semaphore_mem>>) src(%dma_wait3A_19 : memref<128xi32, #tpu.memory_space<hbm>>) dst(%arg5 : memref<128xi32, #tpu.memory_space<vmem>>)
        tpu.yield
      }) : () -> ()
      %dma_start3A = arith.constant 0 : i32
      %dma_start3A_12 = arith.constant 0 : i32
      %dma_start3A_13 = tpu.memref_slice %arg2[%dma_start3A, %dma_start3A_12] : memref<8192x256xf32, #tpu.memory_space<hbm>> -> memref<8192x256xf32, #tpu.memory_space<hbm>>
      tpu.enqueue_indirect_dma source(%dma_start3A_13 : memref<8192x256xf32, #tpu.memory_space<hbm>>) target(%arg6 : memref<128x256xf32, #tpu.memory_space<vmem>>) offsets(%arg5 : memref<128xi32, #tpu.memory_space<vmem>>) semaphore(%arg7 : memref<!tpu.dma_semaphore, #tpu.memory_space<semaphore_mem>>)
      %dma_wait3A = arith.constant 0 : i32
      %dma_wait3A_14 = arith.constant 0 : i32
      %dma_wait3A_15 = tpu.memref_slice %arg2[%dma_wait3A, %dma_wait3A_14] : memref<8192x256xf32, #tpu.memory_space<hbm>> -> memref<8192x256xf32, #tpu.memory_space<hbm>>
      tpu.wait_indirect_dma semaphore(%arg7 : memref<!tpu.dma_semaphore, #tpu.memory_space<semaphore_mem>>) src(%dma_wait3A_15 : memref<8192x256xf32, #tpu.memory_space<hbm>>) dst(%arg6 : memref<128x256xf32, #tpu.memory_space<vmem>>)
      "tpu.region"() ({
        %run_scoped3A = tpu.sem_alloc : memref<!tpu.dma_semaphore, #tpu.memory_space<semaphore_mem>>
        %dma_start3A_16 = arith.constant 0 : i32
        %dma_start3A_17 = tpu.memref_slice %arg4[%add3A_11, %dma_start3A_16] : memref<16384x256xf32, #tpu.memory_space<hbm>> -> memref<128x256xf32, #tpu.memory_space<hbm>>
        %dma_start3A_18 = arith.constant 0 : i32
        %dma_start3A_19 = tpu.memref_slice %arg4[%add3A_11, %dma_start3A_18] : memref<16384x256xf32, #tpu.memory_space<hbm>> -> memref<128x256xf32, #tpu.memory_space<hbm>>
        tpu.enqueue_dma source(%arg6 : memref<128x256xf32, #tpu.memory_space<vmem>>) target(%dma_start3A_19 : memref<128x256xf32, #tpu.memory_space<hbm>>) target_semaphore(%run_scoped3A : memref<!tpu.dma_semaphore, #tpu.memory_space<semaphore_mem>>)
        %dma_wait3A_20 = arith.constant 0 : i32
        %dma_wait3A_21 = tpu.memref_slice %arg4[%add3A_11, %dma_wait3A_20] : memref<16384x256xf32, #tpu.memory_space<hbm>> -> memref<128x256xf32, #tpu.memory_space<hbm>>
        %dma_wait3A_22 = arith.constant 0 : i32
        %dma_wait3A_23 = tpu.memref_slice %arg4[%add3A_11, %dma_wait3A_22] : memref<16384x256xf32, #tpu.memory_space<hbm>> -> memref<128x256xf32, #tpu.memory_space<hbm>>
        tpu.wait_dma2 semaphore(%run_scoped3A : memref<!tpu.dma_semaphore, #tpu.memory_space<semaphore_mem>>) src(%arg6 : memref<128x256xf32, #tpu.memory_space<vmem>>) dst(%dma_wait3A_23 : memref<128x256xf32, #tpu.memory_space<hbm>>)
        tpu.yield
      }) : () -> ()
    }
    %scan3A_7 = arith.constant 4 : i32
    return
  }
}

module attributes {stable_mosaic.version = 14 : i64} {
  func.func @_transpose_body(%arg0: i32, %arg1: memref<256x512xf32, #tpu.memory_space<vmem>>, %arg2: memref<512x256xf32, #tpu.memory_space<vmem>>) attributes {dimension_semantics = [#tpu.dimension_semantics<arbitrary>], iteration_bounds = array<i64: 16>, scalar_prefetch = 0 : i64, scratch_operands = 0 : i64, tpu.core_type = #tpu.core_type<tc>, window_params = [{transform_indices = @transform_0, window_bounds = array<i64: 256, 512>}, {transform_indices = @transform_1, window_bounds = array<i64: 512, 256>}]} {
    %get3A = arith.constant 0 : index
    %get3A_0 = arith.constant 0 : index
    %get3A_1 = vector.load %arg1[%get3A, %get3A_0] : memref<256x512xf32, #tpu.memory_space<vmem>>, vector<256x512xf32>
    %transpose3A = tpu.transpose %get3A_1, [1, 0] : vector<256x512xf32> -> vector<512x256xf32>
    %swap3A = arith.constant 0 : index
    %swap3A_2 = arith.constant 0 : index
    %swap3A_3 = vector.load %arg2[%swap3A, %swap3A_2] : memref<512x256xf32, #tpu.memory_space<vmem>>, vector<512x256xf32>
    tpu.vector_store %arg2[%swap3A, %swap3A_2], %transpose3A {strides = array<i32>} : memref<512x256xf32, #tpu.memory_space<vmem>>, vector<512x256xf32>,
    return
  }
  func.func @transform_0(%arg0: i32) -> (i32, i32) {
    %c0_i32 = arith.constant 0 : i32
    %c0_i32_0 = arith.constant 0 : i32
    return %c0_i32, %arg0 : i32, i32
  }
  func.func @transform_1(%arg0: i32) -> (i32, i32) {
    %c0_i32 = arith.constant 0 : i32
    %c0_i32_0 = arith.constant 0 : i32
    return %arg0, %c0_i32 : i32, i32
  }
}

module attributes {stable_mosaic.version = 14 : i64} {
  func.func @_dist_argmin_body(%arg0: i32, %arg1: i32, %arg2: memref<256x1024xf32, #tpu.memory_space<vmem>>, %arg3: memref<256x512xf32, #tpu.memory_space<vmem>>, %arg4: memref<1x1024xf32, #tpu.memory_space<vmem>>, %arg5: memref<512x1xf32, #tpu.memory_space<vmem>>, %arg6: memref<1x1x1024xi32, #tpu.memory_space<vmem>>, %arg7: memref<1x1024xf32, #tpu.memory_space<vmem>>, %arg8: memref<1x1024xi32, #tpu.memory_space<vmem>>) attributes {dimension_semantics = [#tpu.dimension_semantics<parallel>, #tpu.dimension_semantics<arbitrary>], iteration_bounds = array<i64: 16, 16>, scalar_prefetch = 0 : i64, scratch_operands = 2 : i64, tpu.core_type = #tpu.core_type<tc>, window_params = [{transform_indices = @transform_0, window_bounds = array<i64: 256, 1024>}, {transform_indices = @transform_1, window_bounds = array<i64: 256, 512>}, {transform_indices = @transform_2, window_bounds = array<i64: 1, 1024>}, {transform_indices = @transform_3, window_bounds = array<i64: 512, 1>}, {transform_indices = @transform_4, window_bounds = array<i64: 1, 1, 1024>}]} {
    %eq3A = arith.constant 0 : i32
    %eq3A_0 = arith.cmpi eq, %arg1, %eq3A : i32
    %convert_element_type3A = arith.extui %eq3A_0 : i1 to i32
    %cond3A = arith.constant 0 : i32
    %cond3A_1 = arith.cmpi ne, %convert_element_type3A, %cond3A : i32
    scf.if %cond3A_1 {
      %broadcast_in_dim3A_51 = arith.constant 0xFF800000 : f32
      %broadcast_in_dim3A_52 = vector.broadcast %broadcast_in_dim3A_51 : f32 to vector<1x1024xf32>
      %swap3A_53 = arith.constant 0 : index
      %swap3A_54 = arith.constant 0 : index
      %swap3A_55 = vector.load %arg7[%swap3A_53, %swap3A_54] : memref<1x1024xf32, #tpu.memory_space<vmem>>, vector<1x1024xf32>
      tpu.vector_store %arg7[%swap3A_53, %swap3A_54], %broadcast_in_dim3A_52 {strides = array<i32>} : memref<1x1024xf32, #tpu.memory_space<vmem>>, vector<1x1024xf32>,
      %broadcast_in_dim3A_56 = arith.constant 0 : i32
      %broadcast_in_dim3A_57 = vector.broadcast %broadcast_in_dim3A_56 : i32 to vector<1x1024xi32>
      %swap3A_58 = arith.constant 0 : index
      %swap3A_59 = arith.constant 0 : index
      %swap3A_60 = vector.load %arg8[%swap3A_58, %swap3A_59] : memref<1x1024xi32, #tpu.memory_space<vmem>>, vector<1x1024xi32>
      tpu.vector_store %arg8[%swap3A_58, %swap3A_59], %broadcast_in_dim3A_57 {strides = array<i32>} : memref<1x1024xi32, #tpu.memory_space<vmem>>, vector<1x1024xi32>,
    } else {
    }
    %get3A = arith.constant 0 : index
    %get3A_2 = arith.constant 0 : index
    %get3A_3 = vector.load %arg3[%get3A, %get3A_2] : memref<256x512xf32, #tpu.memory_space<vmem>>, vector<256x512xf32>
    %get3A_4 = arith.constant 0 : index
    %get3A_5 = arith.constant 0 : index
    %get3A_6 = vector.load %arg2[%get3A_4, %get3A_5] : memref<256x1024xf32, #tpu.memory_space<vmem>>, vector<256x1024xf32>
    %dot_general3A = arith.constant dense<0.000000e+00> : vector<512x1024xf32>
    %dot_general3A_7 = tpu.matmul %get3A_3, %get3A_6, %dot_general3A {dimension_numbers = #tpu.dot_dimension_numbers<[0], [0], [1], [1], [0, 1, 1, 1], [], []>, precision = #tpu.contract_precision<fp32>, transpose_lhs_hint = false} : vector<256x512xf32>, vector<256x1024xf32>, vector<512x1024xf32> -> vector<512x1024xf32>
    %get3A_8 = arith.constant 0 : index
    %get3A_9 = arith.constant 0 : index
    %get3A_10 = vector.load %arg4[%get3A_8, %get3A_9] : memref<1x1024xf32, #tpu.memory_space<vmem>>, vector<1x1024xf32>
    %mul3A = arith.constant 2.000000e+00 : f32
    %mul3A_11 = vector.broadcast %mul3A : f32 to vector<512x1024xf32>
    %mul3A_12 = arith.mulf %mul3A_11, %dot_general3A_7 : vector<512x1024xf32>
    %sub3A = vector.broadcast %get3A_10 : vector<1x1024xf32> to vector<512x1024xf32>
    %sub3A_13 = arith.subf %sub3A, %mul3A_12 : vector<512x1024xf32>
    %get3A_14 = arith.constant 0 : index
    %get3A_15 = arith.constant 0 : index
    %get3A_16 = vector.load %arg5[%get3A_14, %get3A_15] : memref<512x1xf32, #tpu.memory_space<vmem>>, vector<512x1xf32>
    %add3A = vector.broadcast %get3A_16 : vector<512x1xf32> to vector<512x1024xf32>
    %add3A_17 = arith.addf %sub3A_13, %add3A : vector<512x1024xf32>
    %neg3A = arith.constant 0.000000e+00 : f32
    %neg3A_18 = vector.broadcast %neg3A : f32 to vector<512x1024xf32>
    %neg3A_19 = arith.subf %neg3A_18, %add3A_17 : vector<512x1024xf32>
    %reduce_max3A = arith.constant dense<0xFF800000> : vector<1024xf32>
    %reduce_max3A_20 = vector.multi_reduction <maximumf>, %neg3A_19, %reduce_max3A [0] : vector<512x1024xf32> to vector<1024xf32>
    %broadcast_in_dim3A = vector.shape_cast %reduce_max3A_20 : vector<1024xf32> to vector<1x1024xf32>
    %iota3A = tpu.iota {dimensions = array<i32: 0>} : vector<512x1024xi32>
    %eq3A_21 = vector.broadcast %broadcast_in_dim3A : vector<1x1024xf32> to vector<512x1024xf32>
    %eq3A_22 = arith.cmpf oeq, %neg3A_19, %eq3A_21 : vector<512x1024xf32>
    %jit3A = arith.constant 512 : i32
    %broadcast_in_dim3A_23 = vector.broadcast %jit3A : i32 to vector<512x1024xi32>
    %select_n3A = arith.select %eq3A_22, %iota3A, %broadcast_in_dim3A_23 : vector<512x1024xi1>, vector<512x1024xi32>
    %reduce_min3A = arith.constant dense<2147483647> : vector<1024xi32>
    %reduce_min3A_24 = vector.multi_reduction <minsi>, %select_n3A, %reduce_min3A [0] : vector<512x1024xi32> to vector<1024xi32>
    %broadcast_in_dim3A_25 = vector.shape_cast %reduce_min3A_24 : vector<1024xi32> to vector<1x1024xi32>
    %get3A_26 = arith.constant 0 : index
    %get3A_27 = arith.constant 0 : index
    %get3A_28 = vector.load %arg7[%get3A_26, %get3A_27] : memref<1x1024xf32, #tpu.memory_space<vmem>>, vector<1x1024xf32>
    %gt3A = arith.cmpf ogt, %broadcast_in_dim3A, %get3A_28 : vector<1x1024xf32>
    %mul3A_29 = arith.constant 512 : i32
    %mul3A_30 = arith.muli %arg1, %mul3A_29 : i32
    %add3A_31 = vector.broadcast %mul3A_30 : i32 to vector<1x1024xi32>
    %add3A_32 = arith.addi %add3A_31, %broadcast_in_dim3A_25 : vector<1x1024xi32>
    %get3A_33 = arith.constant 0 : index
    %get3A_34 = arith.constant 0 : index
    %get3A_35 = vector.load %arg8[%get3A_33, %get3A_34] : memref<1x1024xi32, #tpu.memory_space<vmem>>, vector<1x1024xi32>
    %select_n3A_36 = arith.select %gt3A, %add3A_32, %get3A_35 : vector<1x1024xi1>, vector<1x1024xi32>
    %swap3A = arith.constant 0 : index
    %swap3A_37 = arith.constant 0 : index
    %swap3A_38 = vector.load %arg8[%swap3A, %swap3A_37] : memref<1x1024xi32, #tpu.memory_space<vmem>>, vector<1x1024xi32>
    tpu.vector_store %arg8[%swap3A, %swap3A_37], %select_n3A_36 {strides = array<i32>} : memref<1x1024xi32, #tpu.memory_space<vmem>>, vector<1x1024xi32>,
    %get3A_39 = arith.constant 0 : index
    %get3A_40 = arith.constant 0 : index
    %get3A_41 = vector.load %arg7[%get3A_39, %get3A_40] : memref<1x1024xf32, #tpu.memory_space<vmem>>, vector<1x1024xf32>
    %select_n3A_42 = arith.select %gt3A, %broadcast_in_dim3A, %get3A_41 : vector<1x1024xi1>, vector<1x1024xf32>
    %swap3A_43 = arith.constant 0 : index
    %swap3A_44 = arith.constant 0 : index
    %swap3A_45 = vector.load %arg7[%swap3A_43, %swap3A_44] : memref<1x1024xf32, #tpu.memory_space<vmem>>, vector<1x1024xf32>
    tpu.vector_store %arg7[%swap3A_43, %swap3A_44], %select_n3A_42 {strides = array<i32>} : memref<1x1024xf32, #tpu.memory_space<vmem>>, vector<1x1024xf32>,
    %eq3A_46 = arith.constant 15 : i32
    %eq3A_47 = arith.cmpi eq, %arg1, %eq3A_46 : i32
    %convert_element_type3A_48 = arith.extui %eq3A_47 : i1 to i32
    %cond3A_49 = arith.constant 0 : i32
    %cond3A_50 = arith.cmpi ne, %convert_element_type3A_48, %cond3A_49 : i32
    scf.if %cond3A_50 {
      %get3A_51 = arith.constant 0 : index
      %get3A_52 = arith.constant 0 : index
      %get3A_53 = vector.load %arg8[%get3A_51, %get3A_52] : memref<1x1024xi32, #tpu.memory_space<vmem>>, vector<1x1024xi32>
      %broadcast_in_dim3A_54 = vector.shape_cast %get3A_53 : vector<1x1024xi32> to vector<1x1x1024xi32>
      %swap3A_55 = arith.constant 0 : index
      %swap3A_56 = arith.constant 0 : index
      %swap3A_57 = arith.constant 0 : index
      %swap3A_58 = vector.load %arg6[%swap3A_55, %swap3A_56, %swap3A_57] : memref<1x1x1024xi32, #tpu.memory_space<vmem>>, vector<1x1x1024xi32>
      tpu.vector_store %arg6[%swap3A_55, %swap3A_56, %swap3A_57], %broadcast_in_dim3A_54 {strides = array<i32>} : memref<1x1x1024xi32, #tpu.memory_space<vmem>>, vector<1x1x1024xi32>,
    } else {
    }
    return
  }
  func.func @transform_0(%arg0: i32, %arg1: i32) -> (i32, i32) {
    %c0_i32 = arith.constant 0 : i32
    %c0_i32_0 = arith.constant 0 : i32
    return %c0_i32, %arg0 : i32, i32
  }
  func.func @transform_1(%arg0: i32, %arg1: i32) -> (i32, i32) {
    %c0_i32 = arith.constant 0 : i32
    %c0_i32_0 = arith.constant 0 : i32
    return %c0_i32, %arg1 : i32, i32
  }
  func.func @transform_2(%arg0: i32, %arg1: i32) -> (i32, i32) {
    %c0_i32 = arith.constant 0 : i32
    %c0_i32_0 = arith.constant 0 : i32
    return %c0_i32, %arg0 : i32, i32
  }
  func.func @transform_3(%arg0: i32, %arg1: i32) -> (i32, i32) {
    %c0_i32 = arith.constant 0 : i32
    %c0_i32_0 = arith.constant 0 : i32
    return %arg1, %c0_i32 : i32, i32
  }
  func.func @transform_4(%arg0: i32, %arg1: i32) -> (i32, i32, i32) {
    %c0_i32 = arith.constant 0 : i32
    %c0_i32_0 = arith.constant 0 : i32
    %c0_i32_1 = arith.constant 0 : i32
    return %arg0, %c0_i32, %c0_i32_0 : i32, i32, i32
  }
}

module attributes {stable_mosaic.version = 14 : i64} {
  func.func @_finalize_body(%arg0: i32, %arg1: memref<1024x256xf32, #tpu.memory_space<vmem>>, %arg2: memref<1024x256xf32, #tpu.memory_space<vmem>>, %arg3: memref<1024x256xf32, #tpu.memory_space<vmem>>, %arg4: memref<1x1xf32, #tpu.memory_space<vmem>>, %arg5: memref<1xf32, #tpu.memory_space<smem>>) attributes {dimension_semantics = [#tpu.dimension_semantics<arbitrary>], iteration_bounds = array<i64: 16>, scalar_prefetch = 0 : i64, scratch_operands = 1 : i64, tpu.core_type = #tpu.core_type<tc>, window_params = [{transform_indices = @transform_0, window_bounds = array<i64: 1024, 256>}, {transform_indices = @transform_1, window_bounds = array<i64: 1024, 256>}, {transform_indices = @transform_2, window_bounds = array<i64: 1024, 256>}, {pipeline_mode = #tpu.pipeline_mode<synchronous>, transform_indices = @transform_3, window_bounds = array<i64: 1, 1>}]} {
    %eq3A = arith.constant 0 : i32
    %eq3A_0 = arith.cmpi eq, %arg0, %eq3A : i32
    %convert_element_type3A = arith.extui %eq3A_0 : i1 to i32
    %cond3A = arith.constant 0 : i32
    %cond3A_1 = arith.cmpi ne, %convert_element_type3A, %cond3A : i32
    scf.if %cond3A_1 {
      %swap3A_24 = arith.constant 0.000000e+00 : f32
      %swap3A_25 = arith.constant 0 : index
      %swap3A_26 = memref.load %arg5[%swap3A_25] : memref<1xf32, #tpu.memory_space<smem>>
      memref.store %swap3A_24, %arg5[%swap3A_25] : memref<1xf32, #tpu.memory_space<smem>>
    } else {
    }
    %get3A = arith.constant 0 : index
    %get3A_2 = arith.constant 0 : index
    %get3A_3 = vector.load %arg1[%get3A, %get3A_2] : memref<1024x256xf32, #tpu.memory_space<vmem>>, vector<1024x256xf32>
    %get3A_4 = arith.constant 0 : index
    %get3A_5 = arith.constant 0 : index
    %get3A_6 = vector.load %arg2[%get3A_4, %get3A_5] : memref<1024x256xf32, #tpu.memory_space<vmem>>, vector<1024x256xf32>
    %sub3A = arith.subf %get3A_6, %get3A_3 : vector<1024x256xf32>
    %add3A = arith.addf %get3A_3, %sub3A : vector<1024x256xf32>
    %swap3A = arith.constant 0 : index
    %swap3A_7 = arith.constant 0 : index
    %swap3A_8 = vector.load %arg3[%swap3A, %swap3A_7] : memref<1024x256xf32, #tpu.memory_space<vmem>>, vector<1024x256xf32>
    tpu.vector_store %arg3[%swap3A, %swap3A_7], %add3A {strides = array<i32>} : memref<1024x256xf32, #tpu.memory_space<vmem>>, vector<1024x256xf32>,
    %sub3A_9 = arith.subf %get3A_3, %get3A_6 : vector<1024x256xf32>
    %get3A_10 = arith.constant 0 : index
    %get3A_11 = memref.load %arg5[%get3A_10] : memref<1xf32, #tpu.memory_space<smem>>
    %mul3A = arith.mulf %sub3A_9, %sub3A_9 : vector<1024x256xf32>
    %reduce_sum3A = vector.shape_cast %mul3A : vector<1024x256xf32> to vector<1x1024x256xf32>
    %reduce_sum3A_12 = arith.constant dense<0.000000e+00> : vector<1xf32>
    %reduce_sum3A_13 = vector.multi_reduction <add>, %reduce_sum3A, %reduce_sum3A_12 [1, 2] : vector<1x1024x256xf32> to vector<1xf32>
    %reduce_sum3A_14 = vector.shape_cast %reduce_sum3A_13 : vector<1xf32> to vector<1x1x1xf32>
    %reduce_sum3A_15 = vector.extract %reduce_sum3A_14[0, 0, 0] : f32 from vector<1x1x1xf32>
    %add3A_16 = arith.addf %get3A_11, %reduce_sum3A_15 : f32
    %swap3A_17 = arith.constant 0 : index
    %swap3A_18 = memref.load %arg5[%swap3A_17] : memref<1xf32, #tpu.memory_space<smem>>
    memref.store %add3A_16, %arg5[%swap3A_17] : memref<1xf32, #tpu.memory_space<smem>>
    %eq3A_19 = arith.constant 15 : i32
    %eq3A_20 = arith.cmpi eq, %arg0, %eq3A_19 : i32
    %convert_element_type3A_21 = arith.extui %eq3A_20 : i1 to i32
    %cond3A_22 = arith.constant 0 : i32
    %cond3A_23 = arith.cmpi ne, %convert_element_type3A_21, %cond3A_22 : i32
    scf.if %cond3A_23 {
      %get3A_24 = arith.constant 0 : index
      %get3A_25 = memref.load %arg5[%get3A_24] : memref<1xf32, #tpu.memory_space<smem>>
      %div3A = arith.constant 0x4A800000 : f32
      %div3A_26 = arith.divf %get3A_25, %div3A : f32
      %broadcast_in_dim3A = vector.broadcast %div3A_26 : f32 to vector<1x1xf32>
      %swap3A_27 = arith.constant 0 : index
      %swap3A_28 = arith.constant 0 : index
      %swap3A_29 = vector.load %arg4[%swap3A_27, %swap3A_28] : memref<1x1xf32, #tpu.memory_space<vmem>>, vector<1x1xf32>
      tpu.vector_store %arg4[%swap3A_27, %swap3A_28], %broadcast_in_dim3A {strides = array<i32>} : memref<1x1xf32, #tpu.memory_space<vmem>>, vector<1x1xf32>,
    } else {
    }
    return
  }
  func.func @transform_0(%arg0: i32) -> (i32, i32) {
    %c0_i32 = arith.constant 0 : i32
    %c0_i32_0 = arith.constant 0 : i32
    return %arg0, %c0_i32 : i32, i32
  }
  func.func @transform_1(%arg0: i32) -> (i32, i32) {
    %c0_i32 = arith.constant 0 : i32
    %c0_i32_0 = arith.constant 0 : i32
    return %arg0, %c0_i32 : i32, i32
  }
  func.func @transform_2(%arg0: i32) -> (i32, i32) {
    %c0_i32 = arith.constant 0 : i32
    %c0_i32_0 = arith.constant 0 : i32
    return %arg0, %c0_i32 : i32, i32
  }
  func.func @transform_3(%arg0: i32) -> (i32, i32) {
    %c0_i32 = arith.constant 0 : i32
    %c0_i32_0 = arith.constant 0 : i32
    %c0_i32_1 = arith.constant 0 : i32
    return %c0_i32, %c0_i32_0 : i32, i32
  }
}

</mosaic_0001>

<sc_bundles>
// kernel: kernel.6.cloned.1.call-start
scs
__scs_entry_jumppad:
0x0: {  	(pc) =	sbr.rel $0x88, $3  }
0x1: {  	(tag) =	ssettag $0x0;
	lr =	simm.s32 $0x1  }
0x2: {  	[smem:$0x3F9F] =	sst lr;
	_ =	strace $0xD0000000  }
0x3: {  	_ = 	snop  }
0x4: {  	_ = 	snop  }
0x5: {  	_ = 	snop  }
0x6: {  	_ = 	snop  }
0x7: {  	_ = 	snop  }
__scs_overlays_trampoline_lowered:
0x8: {  	[smem:$0x3FAE] =	sst s0  }
0x9: {  	[smem:$0x3FAF] =	sst s1  }
0xa: {  	[smem:$0x3FB0] =	sst s2  }
0xb: {  	[smem:$0x3FB1] =	sst s3  }
0xc: {  	[smem:$0x3FB2] =	sst s4  }
0xd: {  	[smem:$0x3FB3] =	sst s5  }
0xe: {  	[smem:$0x3FB4] =	sst s6  }
0xf: {  	[smem:$0x3FB5] =	sst s7  }
0x10: {  	[smem:$0x3FB6] =	sst s8  }
0x11: {  	[smem:$0x3FB7] =	sst s9;
	s0 =	simm.s32 @!p0 $0x0  }
0x12: {  	s1 =	sld [smem:$0x3F9D];
	s0 =	simm.s32 @p0 $0x1  }
0x13: {  	[smem:$0x3FB8] =	sst s0;
	s0 =	simm.s32 @!p1 $0x0  }
0x14: {  	s2 =	sld [smem:$0x3F9C];
	s0 =	simm.s32 @p1 $0x1  }
0x15: {  	[smem:$0x3FB9] =	sst s0;
	s0 =	simm.s32 @!p2 $0x0  }
0x16: {  	s3 =	sld [smem:$0x3FDB];
	s0 =	simm.s32 @p2 $0x1  }
0x17: {  	s4 =	simm.s32 $0x1BF5;
	[smem:$0x3FBB] =	sst s0  }
0x18: {  	s0 =	sld [smem:$0x3F9E];
	_ =	swait.ge [sflag:s4], $0x0  }
0x19: {  	s7 =	sld [smem:$0x3F9F]  }
0x1a: {  	s8 =	sadd.s32 $0xFFFFE003, lr  }
0x1b: {  	s9 =	sadd.s32 $0xFFFFFEF7, lr;
	s5 =	simm.s32 $0xFFFFFFFF;
	p2 =	slt.u32 s8, $0xFFFFF086  }
0x1c: {  	p1 =	slt.u32 s9, $0xF7A;
	s5 =	simm.s32 @!p2 $0x0  }
0x1d: {  	s5 =	simm.s32 @p1 $0x1;
	p0 =	seq.s32 s7, s2  }
0x1e: {  	s7 =	smul.u32 @!p0 $0xF7A, s2;
	p2 =	seq.s32 @!p0 s5, $0x0  }
0x1f: {  	s9 =	smul.u32 $0xF7A, s1;
	s8 =	simm.s32 @!p0 $0x1BF5;
	p2 =	por !p2, p0  }
0x20: {  	[sflag:s8] =	ssyncset.s32 @!p0 $0xFFFFF086;
	s6 =	sadd.s32 @!p0 s3, s7;
	s7 =	simm.s32 @!p0 $0x108  }
0x21: {  	s3 =	sadd.s32 s3, s9;
	s6 =	sadd.s32 @!p0 $0x88, s6;
	s7 =	simm.s32 @p2 $0x1082  }
0x22: {  	[simem:s7], [sflag:s8] =	dma.local @!p0 [hbm:s6], $0xF7A  }
0x23: {  	s9 =	sor.u32 $0xD0000000, s2;
	s6 =	simm.s32 $0x108;
	_ =	swait.ge @!p0 [sflag:s8], $0x0  }
0x24: {  	s3 =	sadd.s32 $0x88, s3;
	s6 =	simm.s32 @!p1 $0x1082;
	[sflag:s4] =	ssyncset.s32 $0xFFFFF086  }
0x25: {  	[simem:s6], [sflag:s4] =	dma.local [hbm:s3], $0xF7A  }
0x26: {  	[smem:$0x3F9F] =	sst s1;
	(tag) =	ssettag s2;
	_ =	strace s9  }
0x27: {  	s1 =	sld [smem:$0x3FAF]  }
0x28: {  	s2 =	sld [smem:$0x3FB0]  }
0x29: {  	s4 =	sld [smem:$0x3FB2]  }
0x2a: {  	p0 =	seq.s32 s5, $0x0;
	s5 =	sld [smem:$0x3FB3]  }
0x2b: {  	s6 =	sld [smem:$0x3FB4]  }
0x2c: {  	s7 =	sld [smem:$0x3FB5]  }
0x2d: {  	s3 =	simm.s32 $0x108;
	s8 =	sld [smem:$0x3FB6]  }
0x2e: {  	s3 =	simm.s32 @!p0 $0x1082;
	s9 =	sld [smem:$0x3FB7]  }
0x2f: {  	lr =	sadd.s32 s0, s3;
	s0 =	sld [smem:$0x3FAE]  }
0x30: {  	s3 =	sld [smem:$0x3FB1]  }
0x31: {  	[smem:$0x3FBA] =	sst s10  }
0x32: {  	s10 =	sld [smem:$0x3FB8];
	_ =	sdelay $0x3  }
0x33: {  	p0 =	seq.s32 s10, $0x1;
	s10 =	sld [smem:$0x3FBA];
	_ =	sdelay $0x3  }
0x34: {  	[smem:$0x3FBA] =	sst s10  }
0x35: {  	s10 =	sld [smem:$0x3FB9];
	_ =	sdelay $0x3  }
0x36: {  	p1 =	seq.s32 s10, $0x1;
	s10 =	sld [smem:$0x3FBA];
	_ =	sdelay $0x3  }
0x37: {  	[smem:$0x3FBA] =	sst s10  }
0x38: {  	s10 =	sld [smem:$0x3FBB]  }
0x39: {  	_ = 	snop;
	(pc) =	sbr.ind lr, $3  }
0x3a: {  	_ = 	snop  }
0x3b: {  	_ = 	snop  }
0x3c: {  	p2 =	seq.s32 s10, $0x1;
	s10 =	sld [smem:$0x3FBA]  }
0x3d: {  	_ =	shalt  }
0x3e: {  	_ =	shalt  }
0x3f: {  	_ =	shalt  }
0x40: {  	_ =	shalt  }
0x41: {  	_ =	shalt  }
0x42: {  	_ =	shalt  }
0x43: {  	_ =	shalt  }
0x44: {  	_ =	shalt  }
0x45: {  	_ =	shalt  }
0x46: {  	_ =	shalt  }
0x47: {  	_ =	shalt  }
0x48: {  	_ =	shalt  }
0x49: {  	_ =	shalt  }
0x4a: {  	_ =	shalt  }
0x4b: {  	_ =	shalt  }
0x4c: {  	_ =	shalt  }
0x4d: {  	_ =	shalt  }
0x4e: {  	_ =	shalt  }
0x4f: {  	_ =	shalt  }
0x50: {  	_ =	shalt  }
0x51: {  	_ =	shalt  }
0x52: {  	_ =	shalt  }
0x53: {  	_ =	shalt  }
0x54: {  	_ =	shalt  }
0x55: {  	_ =	shalt  }
0x56: {  	_ =	shalt  }
0x57: {  	_ =	shalt  }
0x58: {  	_ =	shalt  }
0x59: {  	_ =	shalt  }
0x5a: {  	_ =	shalt  }
0x5b: {  	_ =	shalt  }
0x5c: {  	_ =	shalt  }
0x5d: {  	_ =	shalt  }
0x5e: {  	_ =	shalt  }
0x5f: {  	_ =	shalt  }
0x60: {  	_ =	shalt  }
0x61: {  	_ =	shalt  }
0x62: {  	_ =	shalt  }
0x63: {  	_ =	shalt  }
0x64: {  	_ =	shalt  }
0x65: {  	_ =	shalt  }
0x66: {  	_ =	shalt  }
0x67: {  	_ =	shalt  }
0x68: {  	_ =	shalt  }
0x69: {  	_ =	shalt  }
0x6a: {  	_ =	shalt  }
0x6b: {  	_ =	shalt  }
0x6c: {  	_ =	shalt  }
0x6d: {  	_ =	shalt  }
0x6e: {  	_ =	shalt  }
0x6f: {  	_ =	shalt  }
0x70: {  	_ =	shalt  }
0x71: {  	_ =	shalt  }
0x72: {  	_ =	shalt  }
0x73: {  	_ =	shalt  }
0x74: {  	_ =	shalt  }
0x75: {  	_ =	shalt  }
0x76: {  	_ =	shalt  }
0x77: {  	_ =	shalt  }
0x78: {  	_ =	shalt  }
0x79: {  	_ =	shalt  }
0x7a: {  	_ =	shalt  }
0x7b: {  	_ =	shalt  }
0x7c: {  	_ =	shalt  }
0x7d: {  	_ =	shalt  }
0x7e: {  	_ =	shalt  }
0x7f: {  	_ =	shalt  }
0x80: {  	_ =	shalt  }
0x81: {  	_ =	shalt  }
0x82: {  	_ =	shalt  }
0x83: {  	_ =	shalt  }
0x84: {  	_ =	shalt  }
0x85: {  	_ =	shalt  }
0x86: {  	_ =	shalt  }
0x87: {  	_ =	shalt  }
.Lfunc_end0:
.L_simem_size_0:
called_computation_lowered:
.L_overlay_start_0:
0x88: {  	s2 =	sld [smem:$0x3FD9]  }
0x89: {  	s3 =	sld [smem:$0x3FFE];
	_ =	sdelay $0x1  }
0x8a: {  	s1 =	srdreg.scid  }
0x8b: {  	s0 =	sand.u32 $0x1, s1  }
0x8c: {  	s14 =	sshll.u32 s0, $0xA;
	s2 =	sadd.s32 s3, s2  }
0x8d: {  	s2 =	sadd.s32 s2, s14  }
0x8e: {  	[smem:$0x3FC6] =	sst s2  }
0x8f: {  	_ = 	snop  }
0x90: {  	s2 =	sld [smem:$0x3FD0];
	_ =	sdelay $0x2  }
0x91: {  	s15 =	simm.s32 $0xA;
	s4 =	simm.s32 $0x10  }
0x92: {  	[smem:s4], [sflag:s15] =	dma.local [hbm:s2], $0x1  }
0x93: {  	_ =	swait.eq [sflag:s15], $0x1  }
0x94: {  	[sflag:s15] =	ssyncset.done $0x0  }
0x95: {  	[sflag:s15] =	ssyncadd.s32 $0xFFFFFFFF  }
0x96: {  	s16 =	sld [smem:$0x10];
	(tm) =	ssettm $0x1  }
0x97: {  	s17 =	sld [smem:$0x3FFB];
	_ =	sdelay $0x3  }
0x98: {  	_ =	strace s17  }
0x99: {  	s3 =	sld [smem:$0x3FFC];
	_ =	sdelay $0x3  }
0x9a: {  	_ =	strace s3  }
0x9b: {  	s3 =	sld [smem:$0x3FFD];
	_ =	sdelay $0x3  }
0x9c: {  	_ =	strace s3  }
0x9d: {  	_ =	strace $0x8FFFFFFF  }
0x9e: {  	s18 =	sld [smem:$0x3FDB];
	_ =	sdelay $0x1  }
0x9f: {  	s19 =	simm.s32 $_scs_section_size  }
0xa0: {  	s5 =	simm.s32 $_size__tile_overlayer_lowered;
	s6 =	simm.s32 $_tile_overlayer_lowered  }
0xa1: {  	s22 =	simm.s32 $0x1BFF;
	s21 =	sshll.u32 s6, $0x1;
	s3 =	sadd.s32 s19, s18  }
0xa2: {  	s7 =	simm.s32 $0x0;
	s20 =	sshll.u32 s5, $0x1;
	s5 =	sadd.s32 s21, s3  }
0xa3: {  	[timem:s7], [sflag:s22] =	dma.local [hbm:s5], s20  }
0xa4: {  	_ =	swait.ge [sflag:s22], s20  }
0xa5: {  	s4 =	ssub.s32 $0x0, s20;
	[sflag:s22] =	ssyncset.done $0x0  }
0xa6: {  	[sflag:s22] =	ssyncadd.s32 s4;
	_ =	sdelay $0x1  }
0xa7: {  	s23 =	simm.s32 $0x1B8B  }
0xa8: {  	_ =	swait.ge [sflag:s23], $0x1  }
0xa9: {  	[sflag:s23] =	ssyncset.done $0x0  }
0xaa: {  	s25 =	simm.s32 $0x1B8E;
	s24 =	sld [smem:$0x3FFE];
	[sflag:s23] =	ssyncadd.s32 $0xFFFFFFFF  }
0xab: {  	s26 =	simm.s32 $execute0_lowered;
	[smem:$0x3FD2] =	sst s25  }
0xac: {  	s5 =	sshll.u32 s26, $0x1;
	_ =	strace $0x80000046;
	[dreg:$0x1] =	wrdreg $0xFFFFFFFF  }
0xad: {  	s28 =	simm.s32 $_size_execute0_lowered;
	s3 =	sadd.s32 s3, s5;
	[dreg:$0x0] =	wrdreg $0x0  }
0xae: {  	s5 =	sshll.u32 s28, $0x1;
	[dreg:$0x2] =	wrdreg s3  }
0xaf: {  	[dreg:$0x3] =	wrdreg s5  }
0xb0: {  	[dreg:$0x4] =	wrdreg $0xC0  }
0xb1: {  	_ =	task [dreg:s7], $0x5FFFF  }
0xb2: {  	[dreg:$0x1] =	wrdreg $0xFFFFFFFF  }
0xb3: {  	[dreg:$0x0] =	wrdreg $0x60  }
0xb4: {  	[dreg:$0x2] =	wrdreg s24  }
0xb5: {  	[dreg:$0x3] =	wrdreg s16  }
0xb6: {  	[dreg:$0x4] =	wrdreg $0x9  }
0xb7: {  	_ =	task.clear_ibuf [dreg:s7], $0x5FFFF;
	_ =	strace $0x90000046  }
0xb8: {  	s29 =	simm.s32 $0x9;
	_ =	strace $0x80000048  }
0xb9: {  	_ =	swait.ge [sflag:s29], $0x1  }
0xba: {  	[sflag:s29] =	ssyncadd.s32 $0xFFFFFFFF  }
0xbb: {  	_ =	strace $0x90000048  }
0xbc: {  	_ =	sfence  }
0xbd: {  	s30 =	sld [smem:$0x0];
	_ =	sdelay $0x2  }
0xbe: {  	s31 =	sshll.u32 s1, $0xD;
	s1 =	sshrl.u32 s1, $0x2  }
0xbf: {  	s3 =	sand.u32 $0x4000, s31;
	s1 =	sadd.s32 s1, s30  }
0xc0: {  	s0 =	sor.u32 s3, s0;
	s1 =	sshll.u32 s1, $0x11  }
0xc1: {  	s0 =	sor.u32 s1, s0  }
0xc2: {  	s0 =	sadd.s32 $0x8F2B, s0  }
0xc3: {  	[sflag:s0] =	ssyncadd.remote.s32 $0x1  }
0xc4: {  	_ =	sfence.sel $0xFFFF  }
0xc5: {  	[dreg:$0x0] =	wrdreg $0xFFFFFFFF;
	(pc) =	sbr.abs _section_cstart, $3  }
0xc6: {  	[dreg:$0x1] =	wrdreg $0xFFFFFFFF  }
0xc7: {  	_ =	task.clear_ibuf [dreg:s7], $0x2FFFF;
	_ =	strace $0x9FFFFFFF  }
0xc8: {  	(tm) =	ssettm $0x7FFFFFFF  }
0xc9: {  	_ =	shalt  }
tec
execute0_lowered:
.L_overlay_start_1:
0x0: {  	(tag) =	ssettag $0x1  }
0x1: {  	s4 =	rddreg [dreg:$0x0]  }
0x2: {  	s6 =	rddreg [dreg:$0x1]  }
0x3: {  	s0 =	rddreg [dreg:$0x2];
	s2 =	simm.s32 $0x0  }
0x4: {  	s1 =	stileid.u32;
	s3 =	srdreg.scid;
	s11 =	simm.s32 $0x1880  }
0x5: {  	s12 =	simm.s32 $0x2080;
	s13 =	simm.s32 $0x2880;
	s14 =	simm.s32 $0x3080  }
0x6: {  	s15 =	simm.s32 $0x3880;
	s16 =	simm.s32 $0x4080;
	s17 =	simm.s32 $0x4880  }
0x7: {  	s18 =	simm.s32 $0x5080;
	s19 =	simm.s32 $0x5880;
	s20 =	simm.s32 $0x6080  }
0x8: {  	s21 =	simm.s32 $0x6880;
	s22 =	simm.s32 $0x7080;
	s23 =	simm.s32 $0x7880  }
0x9: {  	s24 =	simm.s32 $0x1;
	s25 =	simm.s32 $0x0;
	[smem:$0x7FF] =	sst s2  }
0xa: {  	s5 =	sshll.u32 s1, $0xF;
	s7 =	sand.u32 $0x1, s3;
	s3 =	sadd.s32 $0x1600, s4  }
0xb: {  	s9 =	sshll.u32 s1, $0xA;
	_ =	strace $0x80000047;
	s5 =	sadd.s32 s5, s4  }
0xc: {  	s29 =	ssub.s32 $0x2, s7;
	s10 =	sshll.u32 s7, $0x9;
	s7 =	sshll.u32 s7, $0xE  }
0xd: {  	s8 =	sshrl.u32 s29, $0x1;
	s30 =	sor.u32 s10, s9;
	s5 =	sadd.s32 s7, s5  }
0xe: {  	v2 =	vlaneseq.u32;
	s7 =	simm.s32 $0x2;
	s9 =	simm.s32 $0x880;
	s10 =	simm.s32 $0x1080  }
0xf: {  	vm0 =	vmmov $0xffff;
	v1 =	vshrl.u32 v2, $0x3;
	s4 =	ssub.s32 s29, s8;
	s31 =	sshrl.u32 s30, $0x3;
	s5 =	sadd.s32 $0x41600, s5  }
0x10: {  	v0 =	vand.u32 $0x7, v2;
	v2 =	vor.u32 $0x8, v2;
	v1 =	vmul.u32 $0x8, v1;
	s8 =	simm.s32 $0x80;
	s4 =	smax.u32 s4, $0x1;
	s6 =	sadd.s32 s31, s6  }
.LBB2_1:
0x11: {  	s26 =	smov.u32 s5;
	s28 =	simm.s32 $0x0  }
.LBB2_2:
0x12: {  	s29 =	sadd.s32 s28, s6  }
0x13: {  	[tilespmem:s2], [sflag:$0x2] =	stream.linear.gather [hbm4b:s29+s2], $0x80, $0x38;
	[tilespmem:$0x8080] =	vst v63  }
0x14: {  	_ =	swait.ge [sflag:s7], $0x80  }
0x15: {  	[sflag:s7] =	ssyncset.done $0x0  }
0x16: {  	[sflag:s7] =	ssyncadd.s32 $0xFFFFFF80  }
0x17: {  	v3 =	vld [tilespmem:$0x0];
	_ =	sdelay $0x4  }
0x18: {  	v4 =	vshll.u32 v3, $0x1  }
0x19: {  	v3 =	vand.u32 $0x7, v3;
	v4 =	vand.u32 $0xFFFFFFF0, v4  }
0x1a: {  	v3 =	vor.u32 v3, v4  }
0x1b: {  	v4 =	vperm.xlane v3, v0;
	_ =	sdelay $0x1  }
0x1c: {  	v3 =	vperm.xlane v3, v2;
	v4 =	vadd.s32 v1, v4;
	_ =	sdelay $0x1  }
0x1d: {  	v3 =	vadd.s32 v1, v3;
	_ =	sdelay $0x2  }
0x1e: {  	[tilespmem:s8], [sflag:$0x1] =	stream.indirect_vreg.gather [hbm4b:s3+s2], $0x80, v4, vm0, $0xb8;
	[tilespmem:$0x8080] =	vst v63  }
0x1f: {  	_ = 	snop  }
0x20: {  	[tilespmem:s9], [sflag:$0x1] =	stream.indirect_vreg.gather [hbm4b:s3+s2], $0x80, v3, vm0, $0xb8;
	[tilespmem:$0x8080] =	vst v63  }
0x21: {  	v3 =	vld [tilespmem:$0x10];
	_ =	sdelay $0x4  }
0x22: {  	v57 =	vshll.u32 v3, $0x1  }
0x23: {  	v3 =	vand.u32 $0x7, v3;
	v4 =	vand.u32 $0xFFFFFFF0, v57  }
0x24: {  	v3 =	vor.u32 v3, v4  }
0x25: {  	v4 =	vperm.xlane v3, v0;
	_ =	sdelay $0x1  }
0x26: {  	v3 =	vperm.xlane v3, v2;
	v4 =	vadd.s32 v1, v4;
	_ =	sdelay $0x1  }
0x27: {  	v3 =	vadd.s32 v1, v3;
	_ =	sdelay $0x2  }
0x28: {  	[tilespmem:s10], [sflag:$0x1] =	stream.indirect_vreg.gather [hbm4b:s3+s2], $0x80, v4, vm0, $0xb8;
	[tilespmem:$0x8080] =	vst v63  }
0x29: {  	_ = 	snop  }
0x2a: {  	[tilespmem:s11], [sflag:$0x1] =	stream.indirect_vreg.gather [hbm4b:s3+s2], $0x80, v3, vm0, $0xb8;
	[tilespmem:$0x8080] =	vst v63  }
0x2b: {  	v3 =	vld [tilespmem:$0x20];
	_ =	sdelay $0x4  }
0x2c: {  	v58 =	vshll.u32 v3, $0x1  }
0x2d: {  	v3 =	vand.u32 $0x7, v3;
	v4 =	vand.u32 $0xFFFFFFF0, v58  }
0x2e: {  	v3 =	vor.u32 v3, v4  }
0x2f: {  	v4 =	vperm.xlane v3, v0;
	_ =	sdelay $0x1  }
0x30: {  	v3 =	vperm.xlane v3, v2;
	v4 =	vadd.s32 v1, v4;
	_ =	sdelay $0x1  }
0x31: {  	v3 =	vadd.s32 v1, v3;
	_ =	sdelay $0x2  }
0x32: {  	[tilespmem:s12], [sflag:$0x1] =	stream.indirect_vreg.gather [hbm4b:s3+s2], $0x80, v4, vm0, $0xb8;
	[tilespmem:$0x8080] =	vst v63  }
0x33: {  	_ = 	snop  }
0x34: {  	[tilespmem:s13], [sflag:$0x1] =	stream.indirect_vreg.gather [hbm4b:s3+s2], $0x80, v3, vm0, $0xb8;
	[tilespmem:$0x8080] =	vst v63  }
0x35: {  	v3 =	vld [tilespmem:$0x30];
	_ =	sdelay $0x4  }
0x36: {  	v59 =	vshll.u32 v3, $0x1  }
0x37: {  	v3 =	vand.u32 $0x7, v3;
	v4 =	vand.u32 $0xFFFFFFF0, v59  }
0x38: {  	v3 =	vor.u32 v3, v4  }
0x39: {  	v4 =	vperm.xlane v3, v0;
	_ =	sdelay $0x1  }
0x3a: {  	v3 =	vperm.xlane v3, v2;
	v4 =	vadd.s32 v1, v4;
	_ =	sdelay $0x1  }
0x3b: {  	v3 =	vadd.s32 v1, v3;
	_ =	sdelay $0x2  }
0x3c: {  	[tilespmem:s14], [sflag:$0x1] =	stream.indirect_vreg.gather [hbm4b:s3+s2], $0x80, v4, vm0, $0xb8;
	[tilespmem:$0x8080] =	vst v63  }
0x3d: {  	_ = 	snop  }
0x3e: {  	[tilespmem:s15], [sflag:$0x1] =	stream.indirect_vreg.gather [hbm4b:s3+s2], $0x80, v3, vm0, $0xb8;
	[tilespmem:$0x8080] =	vst v63  }
0x3f: {  	v3 =	vld [tilespmem:$0x40];
	_ =	sdelay $0x4  }
0x40: {  	v60 =	vshll.u32 v3, $0x1  }
0x41: {  	v3 =	vand.u32 $0x7, v3;
	v4 =	vand.u32 $0xFFFFFFF0, v60  }
0x42: {  	v3 =	vor.u32 v3, v4  }
0x43: {  	v4 =	vperm.xlane v3, v0;
	_ =	sdelay $0x1  }
0x44: {  	v3 =	vperm.xlane v3, v2;
	v4 =	vadd.s32 v1, v4;
	_ =	sdelay $0x1  }
0x45: {  	v3 =	vadd.s32 v1, v3;
	_ =	sdelay $0x2  }
0x46: {  	[tilespmem:s16], [sflag:$0x1] =	stream.indirect_vreg.gather [hbm4b:s3+s2], $0x80, v4, vm0, $0xb8;
	[tilespmem:$0x8080] =	vst v63  }
0x47: {  	_ = 	snop  }
0x48: {  	[tilespmem:s17], [sflag:$0x1] =	stream.indirect_vreg.gather [hbm4b:s3+s2], $0x80, v3, vm0, $0xb8;
	[tilespmem:$0x8080] =	vst v63  }
0x49: {  	v3 =	vld [tilespmem:$0x50];
	_ =	sdelay $0x4  }
0x4a: {  	v61 =	vshll.u32 v3, $0x1  }
0x4b: {  	v3 =	vand.u32 $0x7, v3;
	v4 =	vand.u32 $0xFFFFFFF0, v61  }
0x4c: {  	v3 =	vor.u32 v3, v4  }
0x4d: {  	v4 =	vperm.xlane v3, v0;
	_ =	sdelay $0x1  }
0x4e: {  	v3 =	vperm.xlane v3, v2;
	v4 =	vadd.s32 v1, v4;
	_ =	sdelay $0x1  }
0x4f: {  	v3 =	vadd.s32 v1, v3;
	_ =	sdelay $0x2  }
0x50: {  	[tilespmem:s18], [sflag:$0x1] =	stream.indirect_vreg.gather [hbm4b:s3+s2], $0x80, v4, vm0, $0xb8;
	[tilespmem:$0x8080] =	vst v63  }
0x51: {  	_ = 	snop  }
0x52: {  	[tilespmem:s19], [sflag:$0x1] =	stream.indirect_vreg.gather [hbm4b:s3+s2], $0x80, v3, vm0, $0xb8;
	[tilespmem:$0x8080] =	vst v63  }
0x53: {  	v3 =	vld [tilespmem:$0x60];
	_ =	sdelay $0x4  }
0x54: {  	v62 =	vshll.u32 v3, $0x1  }
0x55: {  	v3 =	vand.u32 $0x7, v3;
	v4 =	vand.u32 $0xFFFFFFF0, v62  }
0x56: {  	v3 =	vor.u32 v3, v4  }
0x57: {  	v4 =	vperm.xlane v3, v0;
	_ =	sdelay $0x1  }
0x58: {  	v3 =	vperm.xlane v3, v2;
	v4 =	vadd.s32 v1, v4;
	_ =	sdelay $0x1  }
0x59: {  	v3 =	vadd.s32 v1, v3;
	_ =	sdelay $0x2  }
0x5a: {  	[tilespmem:s20], [sflag:$0x1] =	stream.indirect_vreg.gather [hbm4b:s3+s2], $0x80, v4, vm0, $0xb8;
	[tilespmem:$0x8080] =	vst v63  }
0x5b: {  	_ = 	snop  }
0x5c: {  	[tilespmem:s21], [sflag:$0x1] =	stream.indirect_vreg.gather [hbm4b:s3+s2], $0x80, v3, vm0, $0xb8;
	[tilespmem:$0x8080] =	vst v63  }
0x5d: {  	v3 =	vld [tilespmem:$0x70];
	_ =	sdelay $0x4  }
0x5e: {  	v63 =	vshll.u32 v3, $0x1  }
0x5f: {  	v3 =	vand.u32 $0x7, v3;
	v4 =	vand.u32 $0xFFFFFFF0, v63  }
0x60: {  	v3 =	vor.u32 v3, v4  }
0x61: {  	v4 =	vperm.xlane v3, v0;
	_ =	sdelay $0x1  }
0x62: {  	v3 =	vperm.xlane v3, v2;
	v4 =	vadd.s32 v1, v4;
	_ =	sdelay $0x1  }
0x63: {  	v3 =	vadd.s32 v1, v3;
	_ =	sdelay $0x2  }
0x64: {  	[tilespmem:s22], [sflag:$0x1] =	stream.indirect_vreg.gather [hbm4b:s3+s2], $0x80, v4, vm0, $0xb8;
	[tilespmem:$0x8080] =	vst v63  }
0x65: {  	_ = 	snop  }
0x66: {  	[tilespmem:s23], [sflag:$0x1] =	stream.indirect_vreg.gather [hbm4b:s3+s2], $0x80, v3, vm0, $0xb8;
	[tilespmem:$0x8080] =	vst v63  }
0x67: {  	_ =	swait.ge [sflag:s24], $0x8000  }
0x68: {  	p0 =	sne.s32 s28, $0x30;
	[sflag:s24] =	ssyncset.done $0x0  }
.Ltmp0:
0x69: {  	[sflag:s24] =	ssyncadd.s32 $0xFFFF8000;
	(pc) =	sbr.rel @p0 .LBB2_2-.Ltmp0, $4  }
0x6a: {  	[hbm4b:s26+s2] =	stream.linear.scatter [tilespmem:s8], [sflag:$0x2], $0x8000, $0x38;
	[tilespmem:$0x8080] =	vst v63  }
0x6b: {  	_ =	swait.ge [sflag:s7], $0x8000  }
0x6c: {  	[sflag:s7] =	ssyncset.done $0x0  }
0x6d: {  	s28 =	sadd.s32 $0x10, s28;
	s26 =	sadd.s32 $0x1000, s26;
	[sflag:s7] =	ssyncadd.s32 $0xFFFF8000  }
0x6e: {  	s25 =	sadd.s32 $0x1, s25  }
0x6f: {  	p0 =	sne.s32 s25, s4  }
.Ltmp1:
0x70: {  	_ = 	snop;
	(pc) =	sbr.rel @p0 .LBB2_1-.Ltmp1, $1  }
0x71: {  	_ =	sdelay $0x3  }
0x72: {  	_ =	sfence.sel $0x180000  }
0x73: {  	[bflag:$0x0] =	sbarrier.arrive $0xFFFF  }
0x74: {  	p0 =	sne.s32 s1, $0x0;
	_ =	strace $0x90000047  }
0x75: {  	s0 =	sadd.s32 @!p0 $0x100000, s0;
	[bflag:$0x2] =	sbarrier.arrive $0xFFFF  }
0x76: {  	[sflag:s0] =	ssyncadd.tile.s32 @!p0 $0x1;
	_ =	shalt  }
.Lfunc_end2:
_tile_overlayer_lowered:
.L_overlay_start_2:
0x77: {  	(tag) =	ssettag $0x2  }
0x78: {  	s0 =	rddreg [dreg:$0x0];
	s2 =	stileid.u32  }
0x79: {  	s1 =	rddreg [dreg:$0x1];
	p0 =	sne.s32 s2, $0x0  }
0x7a: {  	s3 =	rddreg [dreg:$0x2];
	[bflag:$0x3] =	sbarrier.arrive $0xFFFF;
	s2 =	simm.s32 @!p0 $0x1C02  }
0x7b: {  	[timem:s3], [sflag:s2] =	dma.local @!p0 [hbm:s0], s1  }
0x7c: {  	s0 =	simm.s32 @!p0 $0x2  }
0x7d: {  	_ =	swait.ge @!p0 [sflag:s0], s1  }
0x7e: {  	s1 =	ssub.s32 @!p0 $0x0, s1;
	[sflag:s0] =	ssyncset.done @!p0 $0x0  }
0x7f: {  	[sflag:s0] =	ssyncadd.s32 @!p0 s1  }
0x80: {  	[bflag:$0x3] =	sbarrier.arrive $0xFFFF  }
0x81: {  	_ =	shalt  }

</sc_bundles>
